<compile_context>
chip_gen: v7x
topology: tpu7x:2x2x1
jax: 0.10.2.dev20260603
libtpu: 0.0.44.dev20260713+nightly
codegen_flags: <defaults>
</compile_context>

<pallas_src>
import functools

import jax
import jax.numpy as jnp
from jax import lax
from jax.experimental import pallas as pl
from jax.experimental.pallas import tpu as pltpu
from jax.experimental.pallas import tpu_sc as plsc

B = 512
N = 77
NP = 80
IN_FEATS = 256
HIDDEN = 512
OUT_FEATS = 256
E = 2464
ECHUNKS = E // 16

BB = 64

_SC_MESH = plsc.VectorSubcoreMesh(core_axis_name="c", subcore_axis_name="s")


@functools.partial(
    pl.kernel,
    mesh=_SC_MESH,
    out_type=jax.ShapeDtypeStruct((NP * NP,), jnp.float32),
    scratch_types=[
        pltpu.VMEM((2 * E,), jnp.int32),
        pltpu.VMEM((E,), jnp.int32),
        pltpu.VMEM((E,), jnp.float32),
        pltpu.VMEM_SHARED((NP * NP,), jnp.float32),
    ],
)
def _sc_count_kernel(ei_hbm, zeros_hbm, ones_hbm, a_hbm,
                     ei_v, flat_v, ones_v, shared):
    wid = lax.axis_index("s") * 2 + lax.axis_index("c")

    @pl.when(wid == 0)
    def _():
        pltpu.sync_copy(ei_hbm, ei_v)
        pltpu.sync_copy(zeros_hbm, shared)
        pltpu.sync_copy(ones_hbm, ones_v)

        def body(k, carry):
            src = ei_v[pl.ds(k * 16, 16)]
            dst = ei_v[pl.ds(E + k * 16, 16)]
            flat_v[pl.ds(k * 16, 16)] = dst * NP + src
            return carry

        lax.fori_loop(0, ECHUNKS, body, 0)
        pltpu.sync_copy(ones_v, shared.at[flat_v], add=True)
        pltpu.sync_copy(shared, a_hbm)


def _mm(a, b):
    return jax.lax.dot_general(
        a, b, (((1,), (0,)), ((), ())), preferred_element_type=jnp.float32
    )


def _bmm_ahat(ahat_b, v):
    return jax.lax.dot_general(
        ahat_b, v, (((2,), (1,)), ((0,), (0,))),
        preferred_element_type=jnp.float32,
    )


def _gcn_kernel(araw_ref, x_ref, w1_ref, b1_ref, w2_ref, b2_ref, out_ref,
                ahat_scr):
    @pl.when(pl.program_id(0) == 0)
    def _():
        a = araw_ref[...]
        deg_in = jnp.sum(a, axis=1, keepdims=True)
        deg_out = jnp.sum(a, axis=0, keepdims=True)
        norm_dst = jax.lax.rsqrt(jnp.maximum(deg_in, 1.0))
        norm_src = jax.lax.rsqrt(jnp.maximum(deg_out, 1.0))
        ahat_scr[...] = (a * norm_dst * norm_src).astype(jnp.bfloat16)

    ahat_b = jnp.broadcast_to(ahat_scr[...][None], (BB, NP, NP))
    x = x_ref[...].astype(jnp.bfloat16)
    xp = jnp.concatenate(
        [x, jnp.zeros((BB, NP - N, IN_FEATS), jnp.bfloat16)], axis=1)
    y = _bmm_ahat(ahat_b, xp).astype(jnp.bfloat16).reshape(BB * NP, IN_FEATS)
    h = jnp.maximum(_mm(y, w1_ref[:, :]) + b1_ref[:, :],
                    0.0).astype(jnp.bfloat16)
    t = _mm(h, w2_ref[:, :]).astype(jnp.bfloat16).reshape(BB, NP, OUT_FEATS)
    o = _bmm_ahat(ahat_b, t) + b2_ref[:, :][None]
    out_ref[...] = o[:, :N, :].astype(jnp.bfloat16)


def kernel(in_feat, edge_index, W1, b1, W2, b2):
    a_raw = _sc_count_kernel(
        edge_index.reshape(2 * E), jnp.zeros((NP * NP,), jnp.float32),
        jnp.ones((E,), jnp.float32)
    ).reshape(NP, NP)

    grid = (B // BB,)
    out = pl.pallas_call(
        _gcn_kernel,
        grid=grid,
        in_specs=[
            pl.BlockSpec((NP, NP), lambda i: (0, 0)),
            pl.BlockSpec((BB, N, IN_FEATS), lambda i: (i, 0, 0)),
            pl.BlockSpec((IN_FEATS, HIDDEN), lambda i: (0, 0)),
            pl.BlockSpec((1, HIDDEN), lambda i: (0, 0)),
            pl.BlockSpec((HIDDEN, OUT_FEATS), lambda i: (0, 0)),
            pl.BlockSpec((1, OUT_FEATS), lambda i: (0, 0)),
        ],
        out_specs=pl.BlockSpec((BB, N, OUT_FEATS), lambda i: (i, 0, 0)),
        out_shape=jax.ShapeDtypeStruct((B, N, OUT_FEATS), jnp.bfloat16),
        scratch_shapes=[pltpu.VMEM((NP, NP), jnp.bfloat16)],
        compiler_params=pltpu.CompilerParams(
            dimension_semantics=("arbitrary",),
        ),
    )(a_raw, in_feat, W1.astype(jnp.bfloat16),
      b1.astype(jnp.bfloat16).reshape(1, HIDDEN), W2.astype(jnp.bfloat16),
      b2.astype(jnp.bfloat16).reshape(1, OUT_FEATS))
    return out.astype(jnp.float32)

# --- scband reference (transcript-rebuilt; emitter-appended) ---
"""Pipeline reference for scband-gcn-27668179321236 (READ-ONLY COPY).

The authoritative reference and input builder live on the scoring server;
editing this copy changes nothing except your own understanding.
"""

import jax, jax.numpy as jnp
import numpy as np

B = 512
N = 77
IN_FEATS = 256
HIDDEN = 512
OUT_FEATS = 256
E = 2464


def setup_inputs(seed: int = 0) -> dict:
    key = jax.random.key(seed)
    k1, k2, k3, k4, k5, k6 = jax.random.split(key, 6)
    in_feat = jax.random.normal(k1, (B, N, IN_FEATS), dtype=jnp.float32)
    edge_index = jax.random.randint(k2, (2, E), 0, N, dtype=jnp.int32)
    W1 = jax.random.normal(k3, (IN_FEATS, HIDDEN), dtype=jnp.float32) * (1.0 / np.sqrt(IN_FEATS))
    b1 = jnp.zeros((HIDDEN,), dtype=jnp.float32)
    W2 = jax.random.normal(k4, (HIDDEN, OUT_FEATS), dtype=jnp.float32) * (1.0 / np.sqrt(HIDDEN))
    b2 = jnp.zeros((OUT_FEATS,), dtype=jnp.float32)
    return {"in_feat": in_feat, "edge_index": edge_index, "W1": W1, "b1": b1, "W2": W2, "b2": b2}


def reference(in_feat, edge_index, W1, b1, W2, b2):
    # DGL GraphConv with norm='both', allow_zero_in_degree=True:
    #   h = D_in^{-1/2} A D_out^{-1/2} X W + b   (degrees clamped to >= 1)
    src = edge_index[0]
    dst = edge_index[1]
    deg_out = jnp.maximum(jnp.bincount(src, length=N).astype(jnp.float32), 1.0)
    deg_in = jnp.maximum(jnp.bincount(dst, length=N).astype(jnp.float32), 1.0)
    norm_src = deg_out ** (-0.5)
    norm_dst = deg_in ** (-0.5)

    def graph_conv(x, W, b):
        feat = x * norm_src[:, None]
        msgs = feat[src]  # gather along src nodes
        agg = jnp.zeros((N, feat.shape[1]), dtype=feat.dtype).at[dst].add(msgs)  # scatter-add
        agg = agg * norm_dst[:, None]
        return agg @ W + b

    def per_item(xi):
        x = xi.reshape(N, -1)
        h = jax.nn.relu(graph_conv(x, W1, b1))
        return graph_conv(h, W2, b2)

    # original code loops over batch and stacks; vmap is the vectorized equivalent
    return jax.vmap(per_item)(in_feat)

if __name__ == "__main__":
    import jax
    _d = setup_inputs()
    print(jax.jit(kernel)(*tuple(_d.values())))

</pallas_src>

<mosaic_0001>
#map = affine_map<(d0, d1) -> (0)>
module attributes {stable_mosaic.version = 14 : i64} {
  func.func @_sc_count_kernel(%arg0: i32, %arg1: i32, %arg2: memref<4928xi32, #tpu.memory_space<hbm>>, %arg3: memref<6400xf32, #tpu.memory_space<hbm>>, %arg4: memref<2464xf32, #tpu.memory_space<hbm>>, %arg5: memref<6400xf32, #tpu.memory_space<hbm>>, %arg6: memref<4928xi32, #tpu.memory_space<vmem>>, %arg7: memref<2464xi32, #tpu.memory_space<vmem>>, %arg8: memref<2464xf32, #tpu.memory_space<vmem>>, %arg9: memref<6400xf32, #tpu.memory_space<vmem_shared>>) attributes {dimension_semantics = [#tpu.dimension_semantics<core_parallel>, #tpu.dimension_semantics<subcore_parallel>], iteration_bounds = array<i64: 2, 16>, scalar_prefetch = 0 : i64, scratch_operands = 4 : i64, tpu.core_type = #tpu.core_type<sc_vector_subcore>, window_params = [{transform_indices = #map}, {transform_indices = #map}, {transform_indices = #map}, {transform_indices = #map}]} {
    %mul3A = arith.constant 2 : i32
    %mul3A_0 = arith.muli %arg1, %mul3A : i32
    %add3A = arith.addi %mul3A_0, %arg0 : i32
    %eq3A = arith.constant 0 : i32
    %eq3A_1 = arith.cmpi eq, %add3A, %eq3A : i32
    %convert_element_type3A = arith.extui %eq3A_1 : i1 to i32
    %cond3A = arith.constant 0 : i32
    %cond3A_2 = arith.cmpi ne, %convert_element_type3A, %cond3A : i32
    scf.if %cond3A_2 {
      "tpu.region"() ({
        %run_scoped3A = tpu.sem_alloc : memref<!tpu.dma_semaphore, #tpu.memory_space<semaphore_mem>>
        tpu.enqueue_dma source(%arg2 : memref<4928xi32, #tpu.memory_space<hbm>>) target(%arg6 : memref<4928xi32, #tpu.memory_space<vmem>>) target_semaphore(%run_scoped3A : memref<!tpu.dma_semaphore, #tpu.memory_space<semaphore_mem>>)
        tpu.wait_dma2 semaphore(%run_scoped3A : memref<!tpu.dma_semaphore, #tpu.memory_space<semaphore_mem>>) src(%arg2 : memref<4928xi32, #tpu.memory_space<hbm>>) dst(%arg6 : memref<4928xi32, #tpu.memory_space<vmem>>)
        tpu.yield
      }) : () -> ()
      "tpu.region"() ({
        %run_scoped3A = tpu.sem_alloc : memref<!tpu.dma_semaphore, #tpu.memory_space<semaphore_mem>>
        tpu.enqueue_dma source(%arg3 : memref<6400xf32, #tpu.memory_space<hbm>>) target(%arg9 : memref<6400xf32, #tpu.memory_space<vmem_shared>>) target_semaphore(%run_scoped3A : memref<!tpu.dma_semaphore, #tpu.memory_space<semaphore_mem>>)
        tpu.wait_dma2 semaphore(%run_scoped3A : memref<!tpu.dma_semaphore, #tpu.memory_space<semaphore_mem>>) src(%arg3 : memref<6400xf32, #tpu.memory_space<hbm>>) dst(%arg9 : memref<6400xf32, #tpu.memory_space<vmem_shared>>)
        tpu.yield
      }) : () -> ()
      "tpu.region"() ({
        %run_scoped3A = tpu.sem_alloc : memref<!tpu.dma_semaphore, #tpu.memory_space<semaphore_mem>>
        tpu.enqueue_dma source(%arg4 : memref<2464xf32, #tpu.memory_space<hbm>>) target(%arg8 : memref<2464xf32, #tpu.memory_space<vmem>>) target_semaphore(%run_scoped3A : memref<!tpu.dma_semaphore, #tpu.memory_space<semaphore_mem>>)
        tpu.wait_dma2 semaphore(%run_scoped3A : memref<!tpu.dma_semaphore, #tpu.memory_space<semaphore_mem>>) src(%arg4 : memref<2464xf32, #tpu.memory_space<hbm>>) dst(%arg8 : memref<2464xf32, #tpu.memory_space<vmem>>)
        tpu.yield
      }) : () -> ()
      %scan3A = arith.constant 0 : i32
      %scan3A_3 = arith.constant 0 : i32
      %scan3A_4 = arith.constant 154 : i32
      %scan3A_5 = arith.addi %scan3A_3, %scan3A_4 : i32
      %scan3A_6 = arith.constant 1 : i32
      scf.for %scan3A_8 = %scan3A_3 to %scan3A_5 step %scan3A_6  : i32 {
        %mul3A_9 = arith.constant 16 : i32
        %mul3A_10 = arith.muli %scan3A_8, %mul3A_9 : i32
        %get3A = arith.index_cast %mul3A_10 : i32 to index
        %get3A_11 = tpu.vector_load %arg6[%get3A] {strides = array<i32>} : memref<4928xi32, #tpu.memory_space<vmem>>, vector<16xi32>,
        %get3A_12 = vector.shape_cast %get3A_11 : vector<16xi32> to vector<16xi32>
        %mul3A_13 = arith.constant 16 : i32
        %mul3A_14 = arith.muli %scan3A_8, %mul3A_13 : i32
        %add3A_15 = arith.constant 2464 : i32
        %add3A_16 = arith.addi %add3A_15, %mul3A_14 : i32
        %get3A_17 = arith.index_cast %add3A_16 : i32 to index
        %get3A_18 = tpu.vector_load %arg6[%get3A_17] {strides = array<i32>} : memref<4928xi32, #tpu.memory_space<vmem>>, vector<16xi32>,
        %get3A_19 = vector.shape_cast %get3A_18 : vector<16xi32> to vector<16xi32>
        %mul3A_20 = arith.constant 80 : i32
        %mul3A_21 = vector.broadcast %mul3A_20 : i32 to vector<16xi32>
        %mul3A_22 = arith.muli %get3A_19, %mul3A_21 : vector<16xi32>
        %add3A_23 = arith.addi %mul3A_22, %get3A_12 : vector<16xi32>
        %mul3A_24 = arith.constant 16 : i32
        %mul3A_25 = arith.muli %scan3A_8, %mul3A_24 : i32
        %swap3A = arith.index_cast %mul3A_25 : i32 to index
        %swap3A_26 = tpu.vector_load %arg7[%swap3A] {strides = array<i32>} : memref<2464xi32, #tpu.memory_space<vmem>>, vector<16xi32>,
        %swap3A_27 = vector.shape_cast %swap3A_26 : vector<16xi32> to vector<16xi32>
        %swap3A_28 = vector.shape_cast %add3A_23 : vector<16xi32> to vector<16xi32>
        tpu.vector_store %arg7[%swap3A], %swap3A_28 {strides = array<i32>} : memref<2464xi32, #tpu.memory_space<vmem>>, vector<16xi32>,
      }
      %scan3A_7 = arith.constant 154 : i32
      "tpu.region"() ({
        %run_scoped3A = tpu.sem_alloc : memref<!tpu.dma_semaphore, #tpu.memory_space<semaphore_mem>>
        %dma_start3A = arith.constant 0 : i32
        %dma_start3A_8 = tpu.memref_slice %arg9[%dma_start3A] : memref<6400xf32, #tpu.memory_space<vmem_shared>> -> memref<6400xf32, #tpu.memory_space<vmem_shared>>
        tpu.enqueue_indirect_dma source(%arg8 : memref<2464xf32, #tpu.memory_space<vmem>>) target(%dma_start3A_8 : memref<6400xf32, #tpu.memory_space<vmem_shared>>) offsets(%arg7 : memref<2464xi32, #tpu.memory_space<vmem>>) semaphore(%run_scoped3A : memref<!tpu.dma_semaphore, #tpu.memory_space<semaphore_mem>>) {add = true}
        %dma_wait3A = arith.constant 0 : i32
        %dma_wait3A_9 = tpu.memref_slice %arg9[%dma_wait3A] : memref<6400xf32, #tpu.memory_space<vmem_shared>> -> memref<6400xf32, #tpu.memory_space<vmem_shared>>
        tpu.wait_indirect_dma semaphore(%run_scoped3A : memref<!tpu.dma_semaphore, #tpu.memory_space<semaphore_mem>>) src(%arg8 : memref<2464xf32, #tpu.memory_space<vmem>>) dst(%dma_wait3A_9 : memref<6400xf32, #tpu.memory_space<vmem_shared>>)
        tpu.yield
      }) : () -> ()
      "tpu.region"() ({
        %run_scoped3A = tpu.sem_alloc : memref<!tpu.dma_semaphore, #tpu.memory_space<semaphore_mem>>
        tpu.enqueue_dma source(%arg9 : memref<6400xf32, #tpu.memory_space<vmem_shared>>) target(%arg5 : memref<6400xf32, #tpu.memory_space<hbm>>) target_semaphore(%run_scoped3A : memref<!tpu.dma_semaphore, #tpu.memory_space<semaphore_mem>>)
        tpu.wait_dma2 semaphore(%run_scoped3A : memref<!tpu.dma_semaphore, #tpu.memory_space<semaphore_mem>>) src(%arg9 : memref<6400xf32, #tpu.memory_space<vmem_shared>>) dst(%arg5 : memref<6400xf32, #tpu.memory_space<hbm>>)
        tpu.yield
      }) : () -> ()
    } else {
    }
    return
  }
}

module attributes {stable_mosaic.version = 14 : i64} {
  func.func @_gcn_kernel(%arg0: i32, %arg1: memref<80x80xf32, #tpu.memory_space<vmem>>, %arg2: memref<64x77x256xf32, #tpu.memory_space<vmem>>, %arg3: memref<256x512xbf16, #tpu.memory_space<vmem>>, %arg4: memref<1x512xbf16, #tpu.memory_space<vmem>>, %arg5: memref<512x256xbf16, #tpu.memory_space<vmem>>, %arg6: memref<1x256xbf16, #tpu.memory_space<vmem>>, %arg7: memref<64x77x256xbf16, #tpu.memory_space<vmem>>, %arg8: memref<80x80xbf16, #tpu.memory_space<vmem>>) attributes {dimension_semantics = [#tpu.dimension_semantics<arbitrary>], iteration_bounds = array<i64: 8>, scalar_prefetch = 0 : i64, scratch_operands = 1 : i64, tpu.core_type = #tpu.core_type<tc>, window_params = [{pipeline_mode = #tpu.pipeline_mode<synchronous>, transform_indices = @transform_0, window_bounds = array<i64: 80, 80>}, {transform_indices = @transform_1, window_bounds = array<i64: 64, 77, 256>}, {pipeline_mode = #tpu.pipeline_mode<synchronous>, transform_indices = @transform_2, window_bounds = array<i64: 256, 512>}, {pipeline_mode = #tpu.pipeline_mode<synchronous>, transform_indices = @transform_3, window_bounds = array<i64: 1, 512>}, {pipeline_mode = #tpu.pipeline_mode<synchronous>, transform_indices = @transform_4, window_bounds = array<i64: 512, 256>}, {pipeline_mode = #tpu.pipeline_mode<synchronous>, transform_indices = @transform_5, window_bounds = array<i64: 1, 256>}, {transform_indices = @transform_6, window_bounds = array<i64: 64, 77, 256>}]} {
    %eq3A = arith.constant 0 : i32
    %eq3A_0 = arith.cmpi eq, %arg0, %eq3A : i32
    %convert_element_type3A = arith.extui %eq3A_0 : i1 to i32
    %cond3A = arith.constant 0 : i32
    %cond3A_1 = arith.cmpi ne, %convert_element_type3A, %cond3A : i32
    scf.if %cond3A_1 {
      %get3A_48 = arith.constant 0 : index
      %get3A_49 = arith.constant 0 : index
      %get3A_50 = vector.load %arg1[%get3A_48, %get3A_49] : memref<80x80xf32, #tpu.memory_space<vmem>>, vector<80x80xf32>
      %reduce_sum3A = arith.constant dense<0.000000e+00> : vector<80xf32>
      %reduce_sum3A_51 = vector.multi_reduction <add>, %get3A_50, %reduce_sum3A [1] : vector<80x80xf32> to vector<80xf32>
      %broadcast_in_dim3A_52 = vector.shape_cast %reduce_sum3A_51 : vector<80xf32> to vector<80x1xf32>
      %reduce_sum3A_53 = arith.constant dense<0.000000e+00> : vector<80xf32>
      %reduce_sum3A_54 = vector.multi_reduction <add>, %get3A_50, %reduce_sum3A_53 [0] : vector<80x80xf32> to vector<80xf32>
      %broadcast_in_dim3A_55 = vector.shape_cast %reduce_sum3A_54 : vector<80xf32> to vector<1x80xf32>
      %max3A_56 = arith.constant 1.000000e+00 : f32
      %max3A_57 = vector.broadcast %max3A_56 : f32 to vector<80x1xf32>
      %max3A_58 = arith.maximumf %broadcast_in_dim3A_52, %max3A_57 : vector<80x1xf32>
      %rsqrt3A = math.rsqrt %max3A_58 : vector<80x1xf32>
      %max3A_59 = arith.constant 1.000000e+00 : f32
      %max3A_60 = vector.broadcast %max3A_59 : f32 to vector<1x80xf32>
      %max3A_61 = arith.maximumf %broadcast_in_dim3A_55, %max3A_60 : vector<1x80xf32>
      %rsqrt3A_62 = math.rsqrt %max3A_61 : vector<1x80xf32>
      %mul3A = vector.broadcast %rsqrt3A : vector<80x1xf32> to vector<80x80xf32>
      %mul3A_63 = arith.mulf %get3A_50, %mul3A : vector<80x80xf32>
      %mul3A_64 = vector.broadcast %rsqrt3A_62 : vector<1x80xf32> to vector<80x80xf32>
      %mul3A_65 = arith.mulf %mul3A_63, %mul3A_64 : vector<80x80xf32>
      %convert_element_type3A_66 = arith.truncf %mul3A_65 : vector<80x80xf32> to vector<80x80xbf16>
      %swap3A_67 = arith.constant 0 : index
      %swap3A_68 = arith.constant 0 : index
      %swap3A_69 = vector.load %arg8[%swap3A_67, %swap3A_68] : memref<80x80xbf16, #tpu.memory_space<vmem>>, vector<80x80xbf16>
      tpu.vector_store %arg8[%swap3A_67, %swap3A_68], %convert_element_type3A_66 {strides = array<i32>} : memref<80x80xbf16, #tpu.memory_space<vmem>>, vector<80x80xbf16>,
    } else {
    }
    %get3A = arith.constant 0 : index
    %get3A_2 = arith.constant 0 : index
    %get3A_3 = vector.load %arg8[%get3A, %get3A_2] : memref<80x80xbf16, #tpu.memory_space<vmem>>, vector<80x80xbf16>
    %broadcast_in_dim3A = vector.shape_cast %get3A_3 : vector<80x80xbf16> to vector<1x80x80xbf16>
    %broadcast_in_dim3A_4 = vector.shape_cast %broadcast_in_dim3A : vector<1x80x80xbf16> to vector<1x80x80xbf16>
    %broadcast_in_dim3A_5 = vector.broadcast %broadcast_in_dim3A_4 : vector<1x80x80xbf16> to vector<64x80x80xbf16>
    %get3A_6 = arith.constant 0 : index
    %get3A_7 = arith.constant 0 : index
    %get3A_8 = arith.constant 0 : index
    %get3A_9 = vector.load %arg2[%get3A_6, %get3A_7, %get3A_8] : memref<64x77x256xf32, #tpu.memory_space<vmem>>, vector<64x77x256xf32>
    %convert_element_type3A_10 = arith.truncf %get3A_9 : vector<64x77x256xf32> to vector<64x77x256xbf16>
    %broadcast_in_dim3A_11 = arith.constant 0.000000e+00 : bf16
    %broadcast_in_dim3A_12 = vector.broadcast %broadcast_in_dim3A_11 : bf16 to vector<64x3x256xbf16>
    %concatenate3A = tpu.concatenate %convert_element_type3A_10, %broadcast_in_dim3A_12 in 1 : vector<64x77x256xbf16>, vector<64x3x256xbf16> -> vector<64x80x256xbf16>
    %dot_general3A = arith.constant dense<0.000000e+00> : vector<64x80x256xf32>
    %dot_general3A_13 = tpu.matmul %broadcast_in_dim3A_5, %concatenate3A, %dot_general3A {dimension_numbers = #tpu.dot_dimension_numbers<[2], [1], [1], [2], [0, 0, 0, 1, 1, 2], [0], [0]>, transpose_lhs_hint = false} : vector<64x80x80xbf16>, vector<64x80x256xbf16>, vector<64x80x256xf32> -> vector<64x80x256xf32>
    %convert_element_type3A_14 = arith.truncf %dot_general3A_13 : vector<64x80x256xf32> to vector<64x80x256xbf16>
    %reshape3A = vector.shape_cast %convert_element_type3A_14 : vector<64x80x256xbf16> to vector<5120x256xbf16>
    %get3A_15 = arith.constant 0 : index
    %get3A_16 = arith.constant 0 : index
    %get3A_17 = vector.load %arg3[%get3A_15, %get3A_16] : memref<256x512xbf16, #tpu.memory_space<vmem>>, vector<256x512xbf16>
    %dot_general3A_18 = arith.constant dense<0.000000e+00> : vector<5120x512xf32>
    %dot_general3A_19 = tpu.matmul %reshape3A, %get3A_17, %dot_general3A_18 {dimension_numbers = #tpu.dot_dimension_numbers<[1], [0], [0], [1], [0, 0, 1, 1], [], []>, transpose_lhs_hint = false} : vector<5120x256xbf16>, vector<256x512xbf16>, vector<5120x512xf32> -> vector<5120x512xf32>
    %get3A_20 = arith.constant 0 : index
    %get3A_21 = arith.constant 0 : index
    %get3A_22 = vector.load %arg4[%get3A_20, %get3A_21] : memref<1x512xbf16, #tpu.memory_space<vmem>>, vector<1x512xbf16>
    %convert_element_type3A_23 = arith.extf %get3A_22 : vector<1x512xbf16> to vector<1x512xf32>
    %add3A = vector.broadcast %convert_element_type3A_23 : vector<1x512xf32> to vector<5120x512xf32>
    %add3A_24 = arith.addf %dot_general3A_19, %add3A : vector<5120x512xf32>
    %max3A = arith.constant 0.000000e+00 : f32
    %max3A_25 = vector.broadcast %max3A : f32 to vector<5120x512xf32>
    %max3A_26 = arith.maximumf %add3A_24, %max3A_25 : vector<5120x512xf32>
    %convert_element_type3A_27 = arith.truncf %max3A_26 : vector<5120x512xf32> to vector<5120x512xbf16>
    %get3A_28 = arith.constant 0 : index
    %get3A_29 = arith.constant 0 : index
    %get3A_30 = vector.load %arg5[%get3A_28, %get3A_29] : memref<512x256xbf16, #tpu.memory_space<vmem>>, vector<512x256xbf16>
    %dot_general3A_31 = arith.constant dense<0.000000e+00> : vector<5120x256xf32>
    %dot_general3A_32 = tpu.matmul %convert_element_type3A_27, %get3A_30, %dot_general3A_31 {dimension_numbers = #tpu.dot_dimension_numbers<[1], [0], [0], [1], [0, 0, 1, 1], [], []>, transpose_lhs_hint = false} : vector<5120x512xbf16>, vector<512x256xbf16>, vector<5120x256xf32> -> vector<5120x256xf32>
    %convert_element_type3A_33 = arith.truncf %dot_general3A_32 : vector<5120x256xf32> to vector<5120x256xbf16>
    %reshape3A_34 = vector.shape_cast %convert_element_type3A_33 : vector<5120x256xbf16> to vector<64x80x256xbf16>
    %dot_general3A_35 = arith.constant dense<0.000000e+00> : vector<64x80x256xf32>
    %dot_general3A_36 = tpu.matmul %broadcast_in_dim3A_5, %reshape3A_34, %dot_general3A_35 {dimension_numbers = #tpu.dot_dimension_numbers<[2], [1], [1], [2], [0, 0, 0, 1, 1, 2], [0], [0]>, transpose_lhs_hint = false} : vector<64x80x80xbf16>, vector<64x80x256xbf16>, vector<64x80x256xf32> -> vector<64x80x256xf32>
    %get3A_37 = arith.constant 0 : index
    %get3A_38 = arith.constant 0 : index
    %get3A_39 = vector.load %arg6[%get3A_37, %get3A_38] : memref<1x256xbf16, #tpu.memory_space<vmem>>, vector<1x256xbf16>
    %broadcast_in_dim3A_40 = vector.shape_cast %get3A_39 : vector<1x256xbf16> to vector<1x1x256xbf16>
    %convert_element_type3A_41 = arith.extf %broadcast_in_dim3A_40 : vector<1x1x256xbf16> to vector<1x1x256xf32>
    %add3A_42 = vector.broadcast %convert_element_type3A_41 : vector<1x1x256xf32> to vector<64x80x256xf32>
    %add3A_43 = arith.addf %dot_general3A_36, %add3A_42 : vector<64x80x256xf32>
    %slice3A = vector.extract_strided_slice %add3A_43 {offsets = [0, 0, 0], sizes = [64, 77, 256], strides = [1, 1, 1]} : vector<64x80x256xf32> to vector<64x77x256xf32>
    %convert_element_type3A_44 = arith.truncf %slice3A : vector<64x77x256xf32> to vector<64x77x256xbf16>
    %swap3A = arith.constant 0 : index
    %swap3A_45 = arith.constant 0 : index
    %swap3A_46 = arith.constant 0 : index
    %swap3A_47 = vector.load %arg7[%swap3A, %swap3A_45, %swap3A_46] : memref<64x77x256xbf16, #tpu.memory_space<vmem>>, vector<64x77x256xbf16>
    tpu.vector_store %arg7[%swap3A, %swap3A_45, %swap3A_46], %convert_element_type3A_44 {strides = array<i32>} : memref<64x77x256xbf16, #tpu.memory_space<vmem>>, vector<64x77x256xbf16>,
    return
  }
  func.func @transform_0(%arg0: i32) -> (i32, i32) {
    %c0_i32 = arith.constant 0 : i32
    %c0_i32_0 = arith.constant 0 : i32
    %c0_i32_1 = arith.constant 0 : i32
    return %c0_i32, %c0_i32_0 : i32, i32
  }
  func.func @transform_1(%arg0: i32) -> (i32, i32, i32) {
    %c0_i32 = arith.constant 0 : i32
    %c0_i32_0 = arith.constant 0 : i32
    %c0_i32_1 = arith.constant 0 : i32
    return %arg0, %c0_i32, %c0_i32_0 : i32, i32, i32
  }
  func.func @transform_2(%arg0: i32) -> (i32, i32) {
    %c0_i32 = arith.constant 0 : i32
    %c0_i32_0 = arith.constant 0 : i32
    %c0_i32_1 = arith.constant 0 : i32
    return %c0_i32, %c0_i32_0 : i32, i32
  }
  func.func @transform_3(%arg0: i32) -> (i32, i32) {
    %c0_i32 = arith.constant 0 : i32
    %c0_i32_0 = arith.constant 0 : i32
    %c0_i32_1 = arith.constant 0 : i32
    return %c0_i32, %c0_i32_0 : i32, i32
  }
  func.func @transform_4(%arg0: i32) -> (i32, i32) {
    %c0_i32 = arith.constant 0 : i32
    %c0_i32_0 = arith.constant 0 : i32
    %c0_i32_1 = arith.constant 0 : i32
    return %c0_i32, %c0_i32_0 : i32, i32
  }
  func.func @transform_5(%arg0: i32) -> (i32, i32) {
    %c0_i32 = arith.constant 0 : i32
    %c0_i32_0 = arith.constant 0 : i32
    %c0_i32_1 = arith.constant 0 : i32
    return %c0_i32, %c0_i32_0 : i32, i32
  }
  func.func @transform_6(%arg0: i32) -> (i32, i32, i32) {
    %c0_i32 = arith.constant 0 : i32
    %c0_i32_0 = arith.constant 0 : i32
    %c0_i32_1 = arith.constant 0 : i32
    return %arg0, %c0_i32, %c0_i32_0 : i32, i32, i32
  }
}

</mosaic_0001>

<sc_bundles>
// kernel: kernel.4.cloned.1.call-start
scs
__scs_entry_jumppad:
0x0: {  	(pc) =	sbr.rel $0x88, $3  }
0x1: {  	(tag) =	ssettag $0x0;
	lr =	simm.s32 $0x1  }
0x2: {  	[smem:$0x3F9B] =	sst lr;
	_ =	strace $0xD0000000  }
0x3: {  	_ = 	snop  }
0x4: {  	_ = 	snop  }
0x5: {  	_ = 	snop  }
0x6: {  	_ = 	snop  }
0x7: {  	_ = 	snop  }
__scs_overlays_trampoline_lowered:
0x8: {  	[smem:$0x3FAA] =	sst s0  }
0x9: {  	[smem:$0x3FAB] =	sst s1  }
0xa: {  	[smem:$0x3FAC] =	sst s2  }
0xb: {  	[smem:$0x3FAD] =	sst s3  }
0xc: {  	[smem:$0x3FAE] =	sst s4  }
0xd: {  	[smem:$0x3FAF] =	sst s5  }
0xe: {  	[smem:$0x3FB0] =	sst s6  }
0xf: {  	[smem:$0x3FB1] =	sst s7  }
0x10: {  	[smem:$0x3FB2] =	sst s8  }
0x11: {  	[smem:$0x3FB3] =	sst s9;
	s0 =	simm.s32 @!p0 $0x0  }
0x12: {  	s1 =	sld [smem:$0x3F99];
	s0 =	simm.s32 @p0 $0x1  }
0x13: {  	[smem:$0x3FB4] =	sst s0;
	s0 =	simm.s32 @!p1 $0x0  }
0x14: {  	s2 =	sld [smem:$0x3F98];
	s0 =	simm.s32 @p1 $0x1  }
0x15: {  	[smem:$0x3FB5] =	sst s0;
	s0 =	simm.s32 @!p2 $0x0  }
0x16: {  	s3 =	sld [smem:$0x3FDB];
	s0 =	simm.s32 @p2 $0x1  }
0x17: {  	s4 =	simm.s32 $0x1BF5;
	[smem:$0x3FB7] =	sst s0  }
0x18: {  	s0 =	sld [smem:$0x3F9A];
	_ =	swait.ge [sflag:s4], $0x0  }
0x19: {  	s7 =	sld [smem:$0x3F9B]  }
0x1a: {  	s8 =	sadd.s32 $0xFFFFE003, lr  }
0x1b: {  	s9 =	sadd.s32 $0xFFFFFEF7, lr;
	s5 =	simm.s32 $0xFFFFFFFF;
	p2 =	slt.u32 s8, $0xFFFFF086  }
0x1c: {  	p1 =	slt.u32 s9, $0xF7A;
	s5 =	simm.s32 @!p2 $0x0  }
0x1d: {  	s5 =	simm.s32 @p1 $0x1;
	p0 =	seq.s32 s7, s2  }
0x1e: {  	s7 =	smul.u32 @!p0 $0xF7A, s2;
	p2 =	seq.s32 @!p0 s5, $0x0  }
0x1f: {  	s9 =	smul.u32 $0xF7A, s1;
	s8 =	simm.s32 @!p0 $0x1BF5;
	p2 =	por !p2, p0  }
0x20: {  	[sflag:s8] =	ssyncset.s32 @!p0 $0xFFFFF086;
	s6 =	sadd.s32 @!p0 s3, s7;
	s7 =	simm.s32 @!p0 $0x108  }
0x21: {  	s3 =	sadd.s32 s3, s9;
	s6 =	sadd.s32 @!p0 $0x88, s6;
	s7 =	simm.s32 @p2 $0x1082  }
0x22: {  	[simem:s7], [sflag:s8] =	dma.local @!p0 [hbm:s6], $0xF7A  }
0x23: {  	s9 =	sor.u32 $0xD0000000, s2;
	s6 =	simm.s32 $0x108;
	_ =	swait.ge @!p0 [sflag:s8], $0x0  }
0x24: {  	s3 =	sadd.s32 $0x88, s3;
	s6 =	simm.s32 @!p1 $0x1082;
	[sflag:s4] =	ssyncset.s32 $0xFFFFF086  }
0x25: {  	[simem:s6], [sflag:s4] =	dma.local [hbm:s3], $0xF7A  }
0x26: {  	[smem:$0x3F9B] =	sst s1;
	(tag) =	ssettag s2;
	_ =	strace s9  }
0x27: {  	s1 =	sld [smem:$0x3FAB]  }
0x28: {  	s2 =	sld [smem:$0x3FAC]  }
0x29: {  	s4 =	sld [smem:$0x3FAE]  }
0x2a: {  	p0 =	seq.s32 s5, $0x0;
	s5 =	sld [smem:$0x3FAF]  }
0x2b: {  	s6 =	sld [smem:$0x3FB0]  }
0x2c: {  	s7 =	sld [smem:$0x3FB1]  }
0x2d: {  	s3 =	simm.s32 $0x108;
	s8 =	sld [smem:$0x3FB2]  }
0x2e: {  	s3 =	simm.s32 @!p0 $0x1082;
	s9 =	sld [smem:$0x3FB3]  }
0x2f: {  	lr =	sadd.s32 s0, s3;
	s0 =	sld [smem:$0x3FAA]  }
0x30: {  	s3 =	sld [smem:$0x3FAD]  }
0x31: {  	[smem:$0x3FB6] =	sst s10  }
0x32: {  	s10 =	sld [smem:$0x3FB4];
	_ =	sdelay $0x3  }
0x33: {  	p0 =	seq.s32 s10, $0x1;
	s10 =	sld [smem:$0x3FB6];
	_ =	sdelay $0x3  }
0x34: {  	[smem:$0x3FB6] =	sst s10  }
0x35: {  	s10 =	sld [smem:$0x3FB5];
	_ =	sdelay $0x3  }
0x36: {  	p1 =	seq.s32 s10, $0x1;
	s10 =	sld [smem:$0x3FB6];
	_ =	sdelay $0x3  }
0x37: {  	[smem:$0x3FB6] =	sst s10  }
0x38: {  	s10 =	sld [smem:$0x3FB7]  }
0x39: {  	_ = 	snop;
	(pc) =	sbr.ind lr, $3  }
0x3a: {  	_ = 	snop  }
0x3b: {  	_ = 	snop  }
0x3c: {  	p2 =	seq.s32 s10, $0x1;
	s10 =	sld [smem:$0x3FB6]  }
0x3d: {  	_ =	shalt  }
0x3e: {  	_ =	shalt  }
0x3f: {  	_ =	shalt  }
0x40: {  	_ =	shalt  }
0x41: {  	_ =	shalt  }
0x42: {  	_ =	shalt  }
0x43: {  	_ =	shalt  }
0x44: {  	_ =	shalt  }
0x45: {  	_ =	shalt  }
0x46: {  	_ =	shalt  }
0x47: {  	_ =	shalt  }
0x48: {  	_ =	shalt  }
0x49: {  	_ =	shalt  }
0x4a: {  	_ =	shalt  }
0x4b: {  	_ =	shalt  }
0x4c: {  	_ =	shalt  }
0x4d: {  	_ =	shalt  }
0x4e: {  	_ =	shalt  }
0x4f: {  	_ =	shalt  }
0x50: {  	_ =	shalt  }
0x51: {  	_ =	shalt  }
0x52: {  	_ =	shalt  }
0x53: {  	_ =	shalt  }
0x54: {  	_ =	shalt  }
0x55: {  	_ =	shalt  }
0x56: {  	_ =	shalt  }
0x57: {  	_ =	shalt  }
0x58: {  	_ =	shalt  }
0x59: {  	_ =	shalt  }
0x5a: {  	_ =	shalt  }
0x5b: {  	_ =	shalt  }
0x5c: {  	_ =	shalt  }
0x5d: {  	_ =	shalt  }
0x5e: {  	_ =	shalt  }
0x5f: {  	_ =	shalt  }
0x60: {  	_ =	shalt  }
0x61: {  	_ =	shalt  }
0x62: {  	_ =	shalt  }
0x63: {  	_ =	shalt  }
0x64: {  	_ =	shalt  }
0x65: {  	_ =	shalt  }
0x66: {  	_ =	shalt  }
0x67: {  	_ =	shalt  }
0x68: {  	_ =	shalt  }
0x69: {  	_ =	shalt  }
0x6a: {  	_ =	shalt  }
0x6b: {  	_ =	shalt  }
0x6c: {  	_ =	shalt  }
0x6d: {  	_ =	shalt  }
0x6e: {  	_ =	shalt  }
0x6f: {  	_ =	shalt  }
0x70: {  	_ =	shalt  }
0x71: {  	_ =	shalt  }
0x72: {  	_ =	shalt  }
0x73: {  	_ =	shalt  }
0x74: {  	_ =	shalt  }
0x75: {  	_ =	shalt  }
0x76: {  	_ =	shalt  }
0x77: {  	_ =	shalt  }
0x78: {  	_ =	shalt  }
0x79: {  	_ =	shalt  }
0x7a: {  	_ =	shalt  }
0x7b: {  	_ =	shalt  }
0x7c: {  	_ =	shalt  }
0x7d: {  	_ =	shalt  }
0x7e: {  	_ =	shalt  }
0x7f: {  	_ =	shalt  }
0x80: {  	_ =	shalt  }
0x81: {  	_ =	shalt  }
0x82: {  	_ =	shalt  }
0x83: {  	_ =	shalt  }
0x84: {  	_ =	shalt  }
0x85: {  	_ =	shalt  }
0x86: {  	_ =	shalt  }
0x87: {  	_ =	shalt  }
.Lfunc_end0:
.L_simem_size_0:
called_computation_lowered:
.L_overlay_start_0:
0x88: {  	s2 =	sld [smem:$0x3FD9]  }
0x89: {  	s3 =	sld [smem:$0x3FFE];
	_ =	sdelay $0x1  }
0x8a: {  	s1 =	srdreg.scid  }
0x8b: {  	s0 =	sand.u32 $0x1, s1  }
0x8c: {  	s17 =	sshll.u32 s0, $0xA;
	s2 =	sadd.s32 s3, s2  }
0x8d: {  	s2 =	sadd.s32 s2, s17  }
0x8e: {  	[smem:$0x3FC2] =	sst s2  }
0x8f: {  	_ = 	snop  }
0x90: {  	s2 =	sld [smem:$0x3FD0];
	(tm) =	ssettm $0x1  }
0x91: {  	s18 =	sld [smem:$0x3FFB];
	_ =	sdelay $0x3  }
0x92: {  	_ =	strace s18  }
0x93: {  	s3 =	sld [smem:$0x3FFC];
	_ =	sdelay $0x3  }
0x94: {  	_ =	strace s3  }
0x95: {  	s3 =	sld [smem:$0x3FFD];
	_ =	sdelay $0x3  }
0x96: {  	_ =	strace s3  }
0x97: {  	_ =	strace $0x8FFFFFFF  }
0x98: {  	s19 =	sld [smem:$0x3FDB];
	_ =	sdelay $0x1  }
0x99: {  	s4 =	simm.s32 $_scs_section_size  }
0x9a: {  	s5 =	simm.s32 $_size__tile_overlayer_lowered;
	s6 =	simm.s32 $_tile_overlayer_lowered  }
0x9b: {  	s22 =	simm.s32 $0x1BFF;
	s21 =	sshll.u32 s6, $0x1;
	s3 =	sadd.s32 s4, s19  }
0x9c: {  	s7 =	simm.s32 $0x0;
	s20 =	sshll.u32 s5, $0x1;
	s5 =	sadd.s32 s21, s3  }
0x9d: {  	[timem:s7], [sflag:s22] =	dma.local [hbm:s5], s20  }
0x9e: {  	_ =	swait.ge [sflag:s22], s20  }
0x9f: {  	s4 =	ssub.s32 $0x0, s20;
	[sflag:s22] =	ssyncset.done $0x0  }
0xa0: {  	[sflag:s22] =	ssyncadd.s32 s4;
	_ =	sdelay $0x1  }
0xa1: {  	s23 =	simm.s32 $0x1B8B  }
0xa2: {  	_ =	swait.ge [sflag:s23], $0x1  }
0xa3: {  	[sflag:s23] =	ssyncset.done $0x0  }
0xa4: {  	s25 =	simm.s32 $0x1B8E;
	s24 =	sld [smem:$0x3FFE];
	[sflag:s23] =	ssyncadd.s32 $0xFFFFFFFF  }
0xa5: {  	s26 =	simm.s32 $execute0_lowered;
	[smem:$0x3FD2] =	sst s25  }
0xa6: {  	s5 =	sshll.u32 s26, $0x1;
	_ =	strace $0x80000046;
	[dreg:$0x1] =	wrdreg $0xFFFFFFFF  }
0xa7: {  	s28 =	simm.s32 $_size_execute0_lowered;
	s3 =	sadd.s32 s3, s5;
	[dreg:$0x0] =	wrdreg $0x0  }
0xa8: {  	s5 =	sshll.u32 s28, $0x1;
	[dreg:$0x2] =	wrdreg s3  }
0xa9: {  	[dreg:$0x3] =	wrdreg s5  }
0xaa: {  	[dreg:$0x4] =	wrdreg $0xC0  }
0xab: {  	_ =	task [dreg:s7], $0x5FFFF  }
0xac: {  	[dreg:$0x1] =	wrdreg $0xFFFFFFFF  }
0xad: {  	[dreg:$0x0] =	wrdreg $0x60  }
0xae: {  	[dreg:$0x2] =	wrdreg s24  }
0xaf: {  	[dreg:$0x3] =	wrdreg s2  }
0xb0: {  	[dreg:$0x4] =	wrdreg $0x27800  }
0xb1: {  	[dreg:$0x5] =	wrdreg $0x9  }
0xb2: {  	_ =	task.clear_ibuf [dreg:s7], $0x6FFFF;
	_ =	strace $0x90000046  }
0xb3: {  	s29 =	simm.s32 $0x9;
	_ =	strace $0x80000048  }
0xb4: {  	_ =	swait.ge [sflag:s29], $0x1  }
0xb5: {  	[sflag:s29] =	ssyncadd.s32 $0xFFFFFFFF  }
0xb6: {  	_ =	strace $0x90000048  }
0xb7: {  	_ =	sfence  }
0xb8: {  	s30 =	sld [smem:$0x0];
	_ =	sdelay $0x2  }
0xb9: {  	s31 =	sshll.u32 s1, $0xD;
	s1 =	sshrl.u32 s1, $0x2  }
0xba: {  	s3 =	sand.u32 $0x4000, s31;
	s1 =	sadd.s32 s1, s30  }
0xbb: {  	s0 =	sor.u32 s3, s0;
	s1 =	sshll.u32 s1, $0x11  }
0xbc: {  	s0 =	sor.u32 s1, s0  }
0xbd: {  	s0 =	sadd.s32 $0x8F2B, s0  }
0xbe: {  	[sflag:s0] =	ssyncadd.remote.s32 $0x1  }
0xbf: {  	_ =	sfence.sel $0xFFFF  }
0xc0: {  	[dreg:$0x0] =	wrdreg $0xFFFFFFFF;
	(pc) =	sbr.abs _section_cstart, $3  }
0xc1: {  	[dreg:$0x1] =	wrdreg $0xFFFFFFFF  }
0xc2: {  	_ =	task.clear_ibuf [dreg:s7], $0x2FFFF;
	_ =	strace $0x9FFFFFFF  }
0xc3: {  	(tm) =	ssettm $0x7FFFFFFF  }
tec
execute0_lowered:
.L_overlay_start_1:
0x0: {  	(tag) =	ssettag $0x1  }
0x1: {  	s0 =	srdreg.scid  }
0x2: {  	s4 =	sand.u32 $0x1, s0;
	s0 =	stileid.u32  }
0x3: {  	s5 =	sshll.u32 s0, $0x1;
	s7 =	ssub.s32 $0x0, s4  }
0x4: {  	p0 =	sne.s32 s5, s7  }
.Ltmp0:
0x5: {  	_ = 	snop;
	(pc) =	sbr.rel @p0 .LBB2_5-.Ltmp0, $4  }
0x6: {  	s6 =	rddreg [dreg:$0x0]  }
0x7: {  	s2 =	rddreg [dreg:$0x1]  }
0x8: {  	s3 =	rddreg [dreg:$0x2]  }
0x9: {  	s1 =	rddreg [dreg:$0x3];
	_ =	strace $0x80000047  }
0xa: {  	s5 =	ssub.s32 $0x2, s4  }
0xb: {  	s4 =	sadd.s32 $0x400, s6;
	s8 =	simm.s32 $0x0;
	s9 =	simm.s32 $0x1  }
0xc: {  	s10 =	sshll.u32 s0, $0x6;
	s11 =	sshrl.u32 s3, $0x3;
	s12 =	simm.s32 $0x1D80  }
0xd: {  	s13 =	simm.s32 $0x9A0;
	s14 =	simm.s32 $0x1380;
	s7 =	sshrl.u32 s5, $0x1  }
0xe: {  	s15 =	simm.s32 $0x0;
	s10 =	sor.u32 $0x1C01, s10;
	s7 =	ssub.s32 s5, s7  }
0xf: {  	s5 =	sadd.s32 $0x800, s6;
	s6 =	sadd.s32 $0xA00, s6;
	s7 =	smax.u32 s7, $0x1  }
.LBB2_2:
0x10: {  	[tilespmem:s8], [sflag:$0x1] =	stream.linear.gather [hbm4b:s4+s8], $0x1380, $0x38;
	[tilespmem:$0x2910] =	vst v63  }
0x11: {  	_ =	swait.ge [sflag:s9], $0x1380  }
0x12: {  	[sflag:s9] =	ssyncset.done $0x0  }
0x13: {  	[sflag:s9] =	ssyncadd.s32 $0xFFFFEC80  }
0x14: {  	[spmem:s11], [sflag:s10] =	dma.local [hbm:s2], $0x320  }
0x15: {  	_ =	swait.ge [sflag:s9], $0x320  }
0x16: {  	[sflag:s9] =	ssyncset.done $0x0  }
0x17: {  	[sflag:s9] =	ssyncadd.s32 $0xFFFFFCE0  }
0x18: {  	[tilespmem:s12], [sflag:$0x1] =	stream.linear.gather [hbm4b:s5+s8], $0xA00, $0x38;
	[tilespmem:$0x2910] =	vst v63  }
0x19: {  	_ =	swait.ge [sflag:s9], $0xA00  }
0x1a: {  	[sflag:s9] =	ssyncset.done $0x0  }
0x1b: {  	s16 =	simm.s32 $0x0;
	[sflag:s9] =	ssyncadd.s32 $0xFFFFF600  }
0x1c: {  	v0 =	vld [tilespmem:s16+$0x9A0]  }
0x1d: {  	s17 =	simm.s32 $0x40;
	v1 =	vld [tilespmem:s16+$0x0]  }
.LBB2_3:
0x1e: {  	_ = 	snop  }
0x1f: {  	p0 =	sne.s32 s17, $0x2640  }
.Ltmp1:
0x20: {  	_ = 	snop;
	(pc) =	sbr.rel @p0 .LBB2_3-.Ltmp1, $4  }
0x21: {  	v2 =	vmul.u32 $0x50, v0  }
0x22: {  	s18 =	sshra.s32 s17, $0x2  }
0x23: {  	v0 =	vld [tilespmem:s18+$0x9A0];
	v2 =	vadd.s32 v1, v2  }
0x24: {  	s17 =	sadd.s32 $0x40, s17;
	v1 =	vld [tilespmem:s18+$0x0];
	[tilespmem:s16+$0x1380] =	vst v2;
	s16 =	smov.u32 s18  }
0x25: {  	_ =	sdelay $0x2  }
0x26: {  	v0 =	vmul.u32 $0x50, v0;
	_ =	sdelay $0x1  }
0x27: {  	v0 =	vadd.s32 v1, v0  }
0x28: {  	[tilespmem:s16+$0x1380] =	vst v0  }
0x29: {  	[spmem:s3] =	stream.indirect.scatter.add.f32 [tilespmem:s12], [sflag:$0x1], $0x1, s14, s13, $0xb8;
	[tilespmem:$0x2910] =	vst v63  }
0x2a: {  	s15 =	sadd.s32 $0x1, s15;
	_ =	swait.ge [sflag:s9], $0x9A0  }
0x2b: {  	p0 =	sne.s32 s15, s7;
	[sflag:s9] =	ssyncset.done $0x0  }
.Ltmp2:
0x2c: {  	[sflag:s9] =	ssyncadd.s32 $0xFFFFF660;
	(pc) =	sbr.rel @p0 .LBB2_2-.Ltmp2, $4  }
0x2d: {  	[hbm:s6], [sflag:s10] =	dma.local [spmem:s11], $0x320  }
0x2e: {  	_ =	swait.ge [sflag:s9], $0x320  }
0x2f: {  	[sflag:s9] =	ssyncset.done $0x0  }
0x30: {  	[sflag:s9] =	ssyncadd.s32 $0xFFFFFCE0  }
.LBB2_5:
0x31: {  	_ =	sfence.sel $0x180000  }
0x32: {  	[bflag:$0x0] =	sbarrier.arrive $0xFFFF  }
0x33: {  	p0 =	sne.s32 s0, $0x0;
	_ =	strace $0x90000047  }
0x34: {  	s0 =	sadd.s32 @!p0 $0x100000, s1;
	[bflag:$0x2] =	sbarrier.arrive $0xFFFF  }
0x35: {  	[sflag:s0] =	ssyncadd.tile.s32 @!p0 $0x1;
	_ =	shalt  }
.Lfunc_end2:
_tile_overlayer_lowered:
.L_overlay_start_2:
0x36: {  	(tag) =	ssettag $0x2  }
0x37: {  	s0 =	rddreg [dreg:$0x0];
	s2 =	stileid.u32  }
0x38: {  	s1 =	rddreg [dreg:$0x1];
	p0 =	sne.s32 s2, $0x0  }
0x39: {  	s3 =	rddreg [dreg:$0x2];
	[bflag:$0x3] =	sbarrier.arrive $0xFFFF;
	s2 =	simm.s32 @!p0 $0x1C01  }
0x3a: {  	[timem:s3], [sflag:s2] =	dma.local @!p0 [hbm:s0], s1  }
0x3b: {  	s0 =	simm.s32 @!p0 $0x1  }
0x3c: {  	_ =	swait.ge @!p0 [sflag:s0], s1  }
0x3d: {  	s1 =	ssub.s32 @!p0 $0x0, s1;
	[sflag:s0] =	ssyncset.done @!p0 $0x0  }
0x3e: {  	[sflag:s0] =	ssyncadd.s32 @!p0 s1  }
0x3f: {  	[bflag:$0x3] =	sbarrier.arrive $0xFFFF  }
0x40: {  	_ =	shalt  }

</sc_bundles>
